<compile_context>
chip_gen: v7x
topology: tpu7x:2x2x1
jax: 0.10.2.dev20260603
libtpu: 0.0.44.dev20260713+nightly
codegen_flags: <defaults>
</compile_context>

<pallas_src>
import jax
import jax.numpy as jnp
from jax import lax
from jax.experimental import pallas as pl
from jax.experimental.pallas import tpu as pltpu
from jax.experimental.pallas import tpu_sc as plsc

L = 16
BIN_BITS = 15
N_BINS = 1 << BIN_BITS


def _auc_body(pred_hbm, lab_hbm, wt_hbm, out_hbm, p_v, l_v, w_v, htp_v, hfp_v, o_v):
    n_tasks, n = pred_hbm.shape
    cid = lax.axis_index("c")
    sid = lax.axis_index("s")
    wid = sid * 2 + cid

    @pl.when(wid < n_tasks)
    def _():
        t = wid
        pltpu.sync_copy(pred_hbm.at[t], p_v)
        pltpu.sync_copy(lab_hbm.at[t], l_v)
        pltpu.sync_copy(wt_hbm.at[t], w_v)

        zeros = jnp.zeros((L,), jnp.float32)

        def zero_body(i, carry):
            htp_v[pl.ds(i * L, L)] = zeros
            hfp_v[pl.ds(i * L, L)] = zeros
            return carry

        lax.fori_loop(0, N_BINS // L, zero_body, 0, unroll=4)

        def scat_body(i, carry):
            stp, sfp = carry
            pv = p_v[pl.ds(i * L, L)]
            bits = lax.bitcast_convert_type(pv, jnp.int32)
            flip = jnp.int32(-2147483648) | lax.shift_right_arithmetic(bits, 31)
            ukey = lax.bitwise_xor(bits, flip)
            binv = lax.shift_right_logical(ukey, 32 - BIN_BITS)
            wv = w_v[pl.ds(i * L, L)]
            lv = l_v[pl.ds(i * L, L)]
            tp = wv * lv
            fp = wv - tp
            plsc.addupdate_scatter(htp_v, [binv], tp)
            plsc.addupdate_scatter(hfp_v, [binv], fp)
            return (stp + tp, sfp + fp)

        stp, sfp = lax.fori_loop(0, n // L, scat_body, (zeros, zeros), unroll=2)
        t_tot = jnp.sum(stp)
        f_tot = jnp.sum(sfp)

        def scan_body(j, carry):
            run, acc = carry
            tpv = htp_v[pl.ds(j * L, L)]
            fpv = hfp_v[pl.ds(j * L, L)]
            cincl = plsc.cumsum(tpv) + run
            acc = acc + fpv * ((t_tot - cincl) + 0.5 * tpv)
            return (run + jnp.sum(tpv), acc)

        run, acc = lax.fori_loop(
            0, N_BINS // L, scan_body, (jnp.float32(0.0), zeros), unroll=2
        )
        trap_v = jnp.full((L,), jnp.sum(acc), jnp.float32)
        fac_v = jnp.full((L,), t_tot * f_tot, jnp.float32)
        bad_v = fac_v == 0.0
        auc_v = jnp.where(
            bad_v,
            jnp.full((L,), 0.5, jnp.float32),
            trap_v / jnp.where(bad_v, jnp.full((L,), 1.0, jnp.float32), fac_v),
        )
        o_v[...] = auc_v
        pltpu.sync_copy(o_v, out_hbm.at[t])


def kernel(n_tasks, predictions, labels, weights):
    tasks, n = predictions.shape
    run = pl.kernel(
        _auc_body,
        out_type=jax.ShapeDtypeStruct((tasks, L), jnp.float32),
        mesh=plsc.VectorSubcoreMesh(core_axis_name="c", subcore_axis_name="s"),
        compiler_params=pltpu.CompilerParams(needs_layout_passes=False),
        scratch_types=[
            pltpu.VMEM((n,), jnp.float32),
            pltpu.VMEM((n,), jnp.float32),
            pltpu.VMEM((n,), jnp.float32),
            pltpu.VMEM((N_BINS,), jnp.float32),
            pltpu.VMEM((N_BINS,), jnp.float32),
            pltpu.VMEM((L,), jnp.float32),
        ],
    )
    out = run(predictions, labels, weights)
    return out[:, 0]

# --- scband reference (transcript-rebuilt; emitter-appended) ---
"""Pipeline reference for scband-batch-auc-49847390437818 (READ-ONLY COPY).

The authoritative reference and input builder live on the scoring server;
editing this copy changes nothing except your own understanding.
"""

import jax, jax.numpy as jnp
import numpy as np


def setup_inputs(seed: int = 0) -> dict:
    key = jax.random.key(seed)
    k1, k2, k3 = jax.random.split(key, 3)
    n_tasks = 26
    N = 16384
    predictions = jax.random.normal(k1, (n_tasks, N), dtype=jnp.float32)
    labels = jax.random.randint(k2, (n_tasks, N), 0, 2).astype(jnp.float32)
    weights = jax.random.uniform(k3, (n_tasks, N), dtype=jnp.float32)
    return {"n_tasks": n_tasks, "predictions": predictions, "labels": labels, "weights": weights}


def reference(n_tasks, predictions, labels, weights):
    # sort descending by predictions (argsort of negated predictions)
    sorted_indices = jnp.argsort(-predictions, axis=-1)
    sorted_labels = jnp.take_along_axis(labels, sorted_indices, axis=1)
    sorted_weights = jnp.take_along_axis(weights, sorted_indices, axis=1)
    cum_fp = jnp.cumsum(sorted_weights * (1.0 - sorted_labels), axis=-1)
    cum_tp = jnp.cumsum(sorted_weights * sorted_labels, axis=-1)
    fac = cum_fp[:, -1] * cum_tp[:, -1]
    # trapezoidal integration of cum_tp w.r.t. cum_fp (equivalent to torch.trapz(y, x, dim=-1))
    trap = jnp.sum((cum_tp[:, 1:] + cum_tp[:, :-1]) * 0.5 * (cum_fp[:, 1:] - cum_fp[:, :-1]), axis=-1)
    safe_fac = jnp.where(fac == 0, 1.0, fac)
    auc = jnp.where(fac == 0, 0.5, trap / safe_fac)
    return auc

if __name__ == "__main__":
    import jax
    _d = setup_inputs()
    print(jax.jit(kernel)(*tuple(_d.values())))

</pallas_src>

<mosaic_0001>
#map = affine_map<(d0, d1) -> (0, 0)>
module attributes {stable_mosaic.version = 14 : i64} {
  func.func @_auc_body(%arg0: i32, %arg1: i32, %arg2: memref<26x16384xf32, #tpu.memory_space<hbm>>, %arg3: memref<26x16384xf32, #tpu.memory_space<hbm>>, %arg4: memref<26x16384xf32, #tpu.memory_space<hbm>>, %arg5: memref<26x16xf32, #tpu.memory_space<hbm>>, %arg6: memref<16384xf32, #tpu.memory_space<vmem>>, %arg7: memref<16384xf32, #tpu.memory_space<vmem>>, %arg8: memref<16384xf32, #tpu.memory_space<vmem>>, %arg9: memref<32768xf32, #tpu.memory_space<vmem>>, %arg10: memref<32768xf32, #tpu.memory_space<vmem>>, %arg11: memref<16xf32, #tpu.memory_space<vmem>>) attributes {dimension_semantics = [#tpu.dimension_semantics<core_parallel>, #tpu.dimension_semantics<subcore_parallel>], iteration_bounds = array<i64: 2, 16>, scalar_prefetch = 0 : i64, scratch_operands = 6 : i64, tpu.core_type = #tpu.core_type<sc_vector_subcore>, window_params = [{transform_indices = #map}, {transform_indices = #map}, {transform_indices = #map}, {transform_indices = #map}]} {
    %mul3A = arith.constant 2 : i32
    %mul3A_0 = arith.muli %arg1, %mul3A : i32
    %add3A = arith.addi %mul3A_0, %arg0 : i32
    %lt3A = arith.constant 26 : i32
    %lt3A_1 = arith.cmpi slt, %add3A, %lt3A : i32
    %convert_element_type3A = arith.extui %lt3A_1 : i1 to i32
    %cond3A = arith.constant 0 : i32
    %cond3A_2 = arith.cmpi ne, %convert_element_type3A, %cond3A : i32
    scf.if %cond3A_2 {
      "tpu.region"() ({
        %run_scoped3A = tpu.sem_alloc : memref<!tpu.dma_semaphore, #tpu.memory_space<semaphore_mem>>
        %dma_start3A = arith.constant 0 : i32
        %dma_start3A_44 = tpu.memref_slice %arg2[%add3A, %dma_start3A] : memref<26x16384xf32, #tpu.memory_space<hbm>> -> memref<1x16384xf32, #tpu.memory_space<hbm>>
        %dma_start3A_45 = tpu.memref_squeeze %dma_start3A_44 : memref<1x16384xf32, #tpu.memory_space<hbm>> -> memref<16384xf32, #tpu.memory_space<hbm>>
        %dma_start3A_46 = arith.constant 0 : i32
        %dma_start3A_47 = tpu.memref_slice %arg2[%add3A, %dma_start3A_46] : memref<26x16384xf32, #tpu.memory_space<hbm>> -> memref<1x16384xf32, #tpu.memory_space<hbm>>
        %dma_start3A_48 = tpu.memref_squeeze %dma_start3A_47 : memref<1x16384xf32, #tpu.memory_space<hbm>> -> memref<16384xf32, #tpu.memory_space<hbm>>
        tpu.enqueue_dma source(%dma_start3A_48 : memref<16384xf32, #tpu.memory_space<hbm>>) target(%arg6 : memref<16384xf32, #tpu.memory_space<vmem>>) target_semaphore(%run_scoped3A : memref<!tpu.dma_semaphore, #tpu.memory_space<semaphore_mem>>)
        %dma_wait3A = arith.constant 0 : i32
        %dma_wait3A_49 = tpu.memref_slice %arg2[%add3A, %dma_wait3A] : memref<26x16384xf32, #tpu.memory_space<hbm>> -> memref<1x16384xf32, #tpu.memory_space<hbm>>
        %dma_wait3A_50 = tpu.memref_squeeze %dma_wait3A_49 : memref<1x16384xf32, #tpu.memory_space<hbm>> -> memref<16384xf32, #tpu.memory_space<hbm>>
        %dma_wait3A_51 = arith.constant 0 : i32
        %dma_wait3A_52 = tpu.memref_slice %arg2[%add3A, %dma_wait3A_51] : memref<26x16384xf32, #tpu.memory_space<hbm>> -> memref<1x16384xf32, #tpu.memory_space<hbm>>
        %dma_wait3A_53 = tpu.memref_squeeze %dma_wait3A_52 : memref<1x16384xf32, #tpu.memory_space<hbm>> -> memref<16384xf32, #tpu.memory_space<hbm>>
        tpu.wait_dma2 semaphore(%run_scoped3A : memref<!tpu.dma_semaphore, #tpu.memory_space<semaphore_mem>>) src(%dma_wait3A_53 : memref<16384xf32, #tpu.memory_space<hbm>>) dst(%arg6 : memref<16384xf32, #tpu.memory_space<vmem>>)
        tpu.yield
      }) : () -> ()
      "tpu.region"() ({
        %run_scoped3A = tpu.sem_alloc : memref<!tpu.dma_semaphore, #tpu.memory_space<semaphore_mem>>
        %dma_start3A = arith.constant 0 : i32
        %dma_start3A_44 = tpu.memref_slice %arg3[%add3A, %dma_start3A] : memref<26x16384xf32, #tpu.memory_space<hbm>> -> memref<1x16384xf32, #tpu.memory_space<hbm>>
        %dma_start3A_45 = tpu.memref_squeeze %dma_start3A_44 : memref<1x16384xf32, #tpu.memory_space<hbm>> -> memref<16384xf32, #tpu.memory_space<hbm>>
        %dma_start3A_46 = arith.constant 0 : i32
        %dma_start3A_47 = tpu.memref_slice %arg3[%add3A, %dma_start3A_46] : memref<26x16384xf32, #tpu.memory_space<hbm>> -> memref<1x16384xf32, #tpu.memory_space<hbm>>
        %dma_start3A_48 = tpu.memref_squeeze %dma_start3A_47 : memref<1x16384xf32, #tpu.memory_space<hbm>> -> memref<16384xf32, #tpu.memory_space<hbm>>
        tpu.enqueue_dma source(%dma_start3A_48 : memref<16384xf32, #tpu.memory_space<hbm>>) target(%arg7 : memref<16384xf32, #tpu.memory_space<vmem>>) target_semaphore(%run_scoped3A : memref<!tpu.dma_semaphore, #tpu.memory_space<semaphore_mem>>)
        %dma_wait3A = arith.constant 0 : i32
        %dma_wait3A_49 = tpu.memref_slice %arg3[%add3A, %dma_wait3A] : memref<26x16384xf32, #tpu.memory_space<hbm>> -> memref<1x16384xf32, #tpu.memory_space<hbm>>
        %dma_wait3A_50 = tpu.memref_squeeze %dma_wait3A_49 : memref<1x16384xf32, #tpu.memory_space<hbm>> -> memref<16384xf32, #tpu.memory_space<hbm>>
        %dma_wait3A_51 = arith.constant 0 : i32
        %dma_wait3A_52 = tpu.memref_slice %arg3[%add3A, %dma_wait3A_51] : memref<26x16384xf32, #tpu.memory_space<hbm>> -> memref<1x16384xf32, #tpu.memory_space<hbm>>
        %dma_wait3A_53 = tpu.memref_squeeze %dma_wait3A_52 : memref<1x16384xf32, #tpu.memory_space<hbm>> -> memref<16384xf32, #tpu.memory_space<hbm>>
        tpu.wait_dma2 semaphore(%run_scoped3A : memref<!tpu.dma_semaphore, #tpu.memory_space<semaphore_mem>>) src(%dma_wait3A_53 : memref<16384xf32, #tpu.memory_space<hbm>>) dst(%arg7 : memref<16384xf32, #tpu.memory_space<vmem>>)
        tpu.yield
      }) : () -> ()
      "tpu.region"() ({
        %run_scoped3A = tpu.sem_alloc : memref<!tpu.dma_semaphore, #tpu.memory_space<semaphore_mem>>
        %dma_start3A = arith.constant 0 : i32
        %dma_start3A_44 = tpu.memref_slice %arg4[%add3A, %dma_start3A] : memref<26x16384xf32, #tpu.memory_space<hbm>> -> memref<1x16384xf32, #tpu.memory_space<hbm>>
        %dma_start3A_45 = tpu.memref_squeeze %dma_start3A_44 : memref<1x16384xf32, #tpu.memory_space<hbm>> -> memref<16384xf32, #tpu.memory_space<hbm>>
        %dma_start3A_46 = arith.constant 0 : i32
        %dma_start3A_47 = tpu.memref_slice %arg4[%add3A, %dma_start3A_46] : memref<26x16384xf32, #tpu.memory_space<hbm>> -> memref<1x16384xf32, #tpu.memory_space<hbm>>
        %dma_start3A_48 = tpu.memref_squeeze %dma_start3A_47 : memref<1x16384xf32, #tpu.memory_space<hbm>> -> memref<16384xf32, #tpu.memory_space<hbm>>
        tpu.enqueue_dma source(%dma_start3A_48 : memref<16384xf32, #tpu.memory_space<hbm>>) target(%arg8 : memref<16384xf32, #tpu.memory_space<vmem>>) target_semaphore(%run_scoped3A : memref<!tpu.dma_semaphore, #tpu.memory_space<semaphore_mem>>)
        %dma_wait3A = arith.constant 0 : i32
        %dma_wait3A_49 = tpu.memref_slice %arg4[%add3A, %dma_wait3A] : memref<26x16384xf32, #tpu.memory_space<hbm>> -> memref<1x16384xf32, #tpu.memory_space<hbm>>
        %dma_wait3A_50 = tpu.memref_squeeze %dma_wait3A_49 : memref<1x16384xf32, #tpu.memory_space<hbm>> -> memref<16384xf32, #tpu.memory_space<hbm>>
        %dma_wait3A_51 = arith.constant 0 : i32
        %dma_wait3A_52 = tpu.memref_slice %arg4[%add3A, %dma_wait3A_51] : memref<26x16384xf32, #tpu.memory_space<hbm>> -> memref<1x16384xf32, #tpu.memory_space<hbm>>
        %dma_wait3A_53 = tpu.memref_squeeze %dma_wait3A_52 : memref<1x16384xf32, #tpu.memory_space<hbm>> -> memref<16384xf32, #tpu.memory_space<hbm>>
        tpu.wait_dma2 semaphore(%run_scoped3A : memref<!tpu.dma_semaphore, #tpu.memory_space<semaphore_mem>>) src(%dma_wait3A_53 : memref<16384xf32, #tpu.memory_space<hbm>>) dst(%arg8 : memref<16384xf32, #tpu.memory_space<vmem>>)
        tpu.yield
      }) : () -> ()
      %broadcast_in_dim3A = arith.constant 0.000000e+00 : f32
      %broadcast_in_dim3A_3 = vector.broadcast %broadcast_in_dim3A : f32 to vector<16xf32>
      %scan3A = arith.constant 0 : i32
      %scan3A_4 = arith.constant 0 : i32
      %scan3A_5 = arith.constant 2048 : i32
      %scan3A_6 = arith.addi %scan3A_4, %scan3A_5 : i32
      %scan3A_7 = arith.constant 4 : i32
      scf.for %scan3A_44 = %scan3A_4 to %scan3A_6 step %scan3A_7  : i32 {
        %mul3A_45 = arith.constant 16 : i32
        %mul3A_46 = arith.muli %scan3A_44, %mul3A_45 : i32
        %swap3A_47 = arith.index_cast %mul3A_46 : i32 to index
        %swap3A_48 = tpu.vector_load %arg9[%swap3A_47] {strides = array<i32>} : memref<32768xf32, #tpu.memory_space<vmem>>, vector<16xf32>,
        tpu.vector_store %arg9[%swap3A_47], %broadcast_in_dim3A_3 {strides = array<i32>} : memref<32768xf32, #tpu.memory_space<vmem>>, vector<16xf32>,
        %mul3A_49 = arith.constant 16 : i32
        %mul3A_50 = arith.muli %scan3A_44, %mul3A_49 : i32
        %swap3A_51 = arith.index_cast %mul3A_50 : i32 to index
        %swap3A_52 = tpu.vector_load %arg10[%swap3A_51] {strides = array<i32>} : memref<32768xf32, #tpu.memory_space<vmem>>, vector<16xf32>,
        tpu.vector_store %arg10[%swap3A_51], %broadcast_in_dim3A_3 {strides = array<i32>} : memref<32768xf32, #tpu.memory_space<vmem>>, vector<16xf32>,
        %scan3A_53 = arith.constant 1 : i32
        %scan3A_54 = arith.addi %scan3A_44, %scan3A_53 : i32
        %mul3A_55 = arith.constant 16 : i32
        %mul3A_56 = arith.muli %scan3A_54, %mul3A_55 : i32
        %swap3A_57 = arith.index_cast %mul3A_56 : i32 to index
        %swap3A_58 = tpu.vector_load %arg9[%swap3A_57] {strides = array<i32>} : memref<32768xf32, #tpu.memory_space<vmem>>, vector<16xf32>,
        tpu.vector_store %arg9[%swap3A_57], %broadcast_in_dim3A_3 {strides = array<i32>} : memref<32768xf32, #tpu.memory_space<vmem>>, vector<16xf32>,
        %mul3A_59 = arith.constant 16 : i32
        %mul3A_60 = arith.muli %scan3A_54, %mul3A_59 : i32
        %swap3A_61 = arith.index_cast %mul3A_60 : i32 to index
        %swap3A_62 = tpu.vector_load %arg10[%swap3A_61] {strides = array<i32>} : memref<32768xf32, #tpu.memory_space<vmem>>, vector<16xf32>,
        tpu.vector_store %arg10[%swap3A_61], %broadcast_in_dim3A_3 {strides = array<i32>} : memref<32768xf32, #tpu.memory_space<vmem>>, vector<16xf32>,
        %scan3A_63 = arith.constant 2 : i32
        %scan3A_64 = arith.addi %scan3A_44, %scan3A_63 : i32
        %mul3A_65 = arith.constant 16 : i32
        %mul3A_66 = arith.muli %scan3A_64, %mul3A_65 : i32
        %swap3A_67 = arith.index_cast %mul3A_66 : i32 to index
        %swap3A_68 = tpu.vector_load %arg9[%swap3A_67] {strides = array<i32>} : memref<32768xf32, #tpu.memory_space<vmem>>, vector<16xf32>,
        tpu.vector_store %arg9[%swap3A_67], %broadcast_in_dim3A_3 {strides = array<i32>} : memref<32768xf32, #tpu.memory_space<vmem>>, vector<16xf32>,
        %mul3A_69 = arith.constant 16 : i32
        %mul3A_70 = arith.muli %scan3A_64, %mul3A_69 : i32
        %swap3A_71 = arith.index_cast %mul3A_70 : i32 to index
        %swap3A_72 = tpu.vector_load %arg10[%swap3A_71] {strides = array<i32>} : memref<32768xf32, #tpu.memory_space<vmem>>, vector<16xf32>,
        tpu.vector_store %arg10[%swap3A_71], %broadcast_in_dim3A_3 {strides = array<i32>} : memref<32768xf32, #tpu.memory_space<vmem>>, vector<16xf32>,
        %scan3A_73 = arith.constant 3 : i32
        %scan3A_74 = arith.addi %scan3A_44, %scan3A_73 : i32
        %mul3A_75 = arith.constant 16 : i32
        %mul3A_76 = arith.muli %scan3A_74, %mul3A_75 : i32
        %swap3A_77 = arith.index_cast %mul3A_76 : i32 to index
        %swap3A_78 = tpu.vector_load %arg9[%swap3A_77] {strides = array<i32>} : memref<32768xf32, #tpu.memory_space<vmem>>, vector<16xf32>,
        tpu.vector_store %arg9[%swap3A_77], %broadcast_in_dim3A_3 {strides = array<i32>} : memref<32768xf32, #tpu.memory_space<vmem>>, vector<16xf32>,
        %mul3A_79 = arith.constant 16 : i32
        %mul3A_80 = arith.muli %scan3A_74, %mul3A_79 : i32
        %swap3A_81 = arith.index_cast %mul3A_80 : i32 to index
        %swap3A_82 = tpu.vector_load %arg10[%swap3A_81] {strides = array<i32>} : memref<32768xf32, #tpu.memory_space<vmem>>, vector<16xf32>,
        tpu.vector_store %arg10[%swap3A_81], %broadcast_in_dim3A_3 {strides = array<i32>} : memref<32768xf32, #tpu.memory_space<vmem>>, vector<16xf32>,
      }
      %scan3A_8 = arith.constant 2048 : i32
      %scan3A_9 = arith.constant 0 : i32
      %scan3A_10 = arith.constant 1024 : i32
      %scan3A_11 = arith.addi %scan3A_9, %scan3A_10 : i32
      %scan3A_12 = arith.constant 2 : i32
      %scan3A_13:2 = scf.for %scan3A_44 = %scan3A_9 to %scan3A_11 step %scan3A_12 iter_args(%scan3A_45 = %broadcast_in_dim3A_3, %scan3A_46 = %broadcast_in_dim3A_3) -> (vector<16xf32>, vector<16xf32>)  : i32 {
        %mul3A_47 = arith.constant 16 : i32
        %mul3A_48 = arith.muli %scan3A_44, %mul3A_47 : i32
        %get3A = arith.index_cast %mul3A_48 : i32 to index
        %get3A_49 = tpu.vector_load %arg6[%get3A] {strides = array<i32>} : memref<16384xf32, #tpu.memory_space<vmem>>, vector<16xf32>,
        %bitcast_convert_type3A = tpu.bitcast %get3A_49 : vector<16xf32> -> vector<16xi32>
        %shift_right_arithmetic3A = arith.constant 31 : i32
        %shift_right_arithmetic3A_50 = vector.broadcast %shift_right_arithmetic3A : i32 to vector<16xi32>
        %shift_right_arithmetic3A_51 = arith.shrsi %bitcast_convert_type3A, %shift_right_arithmetic3A_50 : vector<16xi32>
        %or3A = arith.constant -2147483648 : i32
        %or3A_52 = vector.broadcast %or3A : i32 to vector<16xi32>
        %or3A_53 = arith.ori %or3A_52, %shift_right_arithmetic3A_51 : vector<16xi32>
        %xor3A = arith.xori %bitcast_convert_type3A, %or3A_53 : vector<16xi32>
        %shift_right_logical3A = arith.constant 17 : i32
        %shift_right_logical3A_54 = vector.broadcast %shift_right_logical3A : i32 to vector<16xi32>
        %shift_right_logical3A_55 = arith.shrui %xor3A, %shift_right_logical3A_54 : vector<16xi32>
        %mul3A_56 = arith.constant 16 : i32
        %mul3A_57 = arith.muli %scan3A_44, %mul3A_56 : i32
        %get3A_58 = arith.index_cast %mul3A_57 : i32 to index
        %get3A_59 = tpu.vector_load %arg8[%get3A_58] {strides = array<i32>} : memref<16384xf32, #tpu.memory_space<vmem>>, vector<16xf32>,
        %mul3A_60 = arith.constant 16 : i32
        %mul3A_61 = arith.muli %scan3A_44, %mul3A_60 : i32
        %get3A_62 = arith.index_cast %mul3A_61 : i32 to index
        %get3A_63 = tpu.vector_load %arg7[%get3A_62] {strides = array<i32>} : memref<16384xf32, #tpu.memory_space<vmem>>, vector<16xf32>,
        %mul3A_64 = arith.mulf %get3A_59, %get3A_63 : vector<16xf32>
        %sub3A = arith.subf %get3A_59, %mul3A_64 : vector<16xf32>
        tpu.vector_store_idx %arg9[%shift_right_logical3A_55], %mul3A_64 {add = true} : memref<32768xf32, #tpu.memory_space<vmem>>[vector<16xi32>], vector<16xf32>,
        tpu.vector_store_idx %arg10[%shift_right_logical3A_55], %sub3A {add = true} : memref<32768xf32, #tpu.memory_space<vmem>>[vector<16xi32>], vector<16xf32>,
        %add3A_65 = arith.addf %scan3A_45, %mul3A_64 : vector<16xf32>
        %add3A_66 = arith.addf %scan3A_46, %sub3A : vector<16xf32>
        %scan3A_67 = arith.constant 1 : i32
        %scan3A_68 = arith.addi %scan3A_44, %scan3A_67 : i32
        %mul3A_69 = arith.constant 16 : i32
        %mul3A_70 = arith.muli %scan3A_68, %mul3A_69 : i32
        %get3A_71 = arith.index_cast %mul3A_70 : i32 to index
        %get3A_72 = tpu.vector_load %arg6[%get3A_71] {strides = array<i32>} : memref<16384xf32, #tpu.memory_space<vmem>>, vector<16xf32>,
        %bitcast_convert_type3A_73 = tpu.bitcast %get3A_72 : vector<16xf32> -> vector<16xi32>
        %shift_right_arithmetic3A_74 = arith.constant 31 : i32
        %shift_right_arithmetic3A_75 = vector.broadcast %shift_right_arithmetic3A_74 : i32 to vector<16xi32>
        %shift_right_arithmetic3A_76 = arith.shrsi %bitcast_convert_type3A_73, %shift_right_arithmetic3A_75 : vector<16xi32>
        %or3A_77 = arith.constant -2147483648 : i32
        %or3A_78 = vector.broadcast %or3A_77 : i32 to vector<16xi32>
        %or3A_79 = arith.ori %or3A_78, %shift_right_arithmetic3A_76 : vector<16xi32>
        %xor3A_80 = arith.xori %bitcast_convert_type3A_73, %or3A_79 : vector<16xi32>
        %shift_right_logical3A_81 = arith.constant 17 : i32
        %shift_right_logical3A_82 = vector.broadcast %shift_right_logical3A_81 : i32 to vector<16xi32>
        %shift_right_logical3A_83 = arith.shrui %xor3A_80, %shift_right_logical3A_82 : vector<16xi32>
        %mul3A_84 = arith.constant 16 : i32
        %mul3A_85 = arith.muli %scan3A_68, %mul3A_84 : i32
        %get3A_86 = arith.index_cast %mul3A_85 : i32 to index
        %get3A_87 = tpu.vector_load %arg8[%get3A_86] {strides = array<i32>} : memref<16384xf32, #tpu.memory_space<vmem>>, vector<16xf32>,
        %mul3A_88 = arith.constant 16 : i32
        %mul3A_89 = arith.muli %scan3A_68, %mul3A_88 : i32
        %get3A_90 = arith.index_cast %mul3A_89 : i32 to index
        %get3A_91 = tpu.vector_load %arg7[%get3A_90] {strides = array<i32>} : memref<16384xf32, #tpu.memory_space<vmem>>, vector<16xf32>,
        %mul3A_92 = arith.mulf %get3A_87, %get3A_91 : vector<16xf32>
        %sub3A_93 = arith.subf %get3A_87, %mul3A_92 : vector<16xf32>
        tpu.vector_store_idx %arg9[%shift_right_logical3A_83], %mul3A_92 {add = true} : memref<32768xf32, #tpu.memory_space<vmem>>[vector<16xi32>], vector<16xf32>,
        tpu.vector_store_idx %arg10[%shift_right_logical3A_83], %sub3A_93 {add = true} : memref<32768xf32, #tpu.memory_space<vmem>>[vector<16xi32>], vector<16xf32>,
        %add3A_94 = arith.addf %add3A_65, %mul3A_92 : vector<16xf32>
        %add3A_95 = arith.addf %add3A_66, %sub3A_93 : vector<16xf32>
        scf.yield %add3A_94, %add3A_95 : vector<16xf32>, vector<16xf32>
      }
      %scan3A_14 = arith.constant 1024 : i32
      %reduce_sum3A = arith.constant true
      %reduce_sum3A_15 = vector.broadcast %reduce_sum3A : i1 to vector<16xi1>
      %reduce_sum3A_16 = tpu.scan <sum>, %scan3A_13#0 masked %reduce_sum3A_15 : vector<16xf32>, vector<16xi1> -> vector<16xf32>
      %reduce_sum3A_17 = vector.extract %reduce_sum3A_16[15] : f32 from vector<16xf32>
      %reduce_sum3A_18 = arith.constant true
      %reduce_sum3A_19 = vector.broadcast %reduce_sum3A_18 : i1 to vector<16xi1>
      %reduce_sum3A_20 = tpu.scan <sum>, %scan3A_13#1 masked %reduce_sum3A_19 : vector<16xf32>, vector<16xi1> -> vector<16xf32>
      %reduce_sum3A_21 = vector.extract %reduce_sum3A_20[15] : f32 from vector<16xf32>
      %scan3A_22 = arith.constant 0.000000e+00 : f32
      %scan3A_23 = arith.constant 0 : i32
      %scan3A_24 = arith.constant 2048 : i32
      %scan3A_25 = arith.addi %scan3A_23, %scan3A_24 : i32
      %scan3A_26 = arith.constant 2 : i32
      %scan3A_27:2 = scf.for %scan3A_44 = %scan3A_23 to %scan3A_25 step %scan3A_26 iter_args(%scan3A_45 = %scan3A_22, %scan3A_46 = %broadcast_in_dim3A_3) -> (f32, vector<16xf32>)  : i32 {
        %mul3A_47 = arith.constant 16 : i32
        %mul3A_48 = arith.muli %scan3A_44, %mul3A_47 : i32
        %get3A = arith.index_cast %mul3A_48 : i32 to index
        %get3A_49 = tpu.vector_load %arg9[%get3A] {strides = array<i32>} : memref<32768xf32, #tpu.memory_space<vmem>>, vector<16xf32>,
        %mul3A_50 = arith.constant 16 : i32
        %mul3A_51 = arith.muli %scan3A_44, %mul3A_50 : i32
        %get3A_52 = arith.index_cast %mul3A_51 : i32 to index
        %get3A_53 = tpu.vector_load %arg10[%get3A_52] {strides = array<i32>} : memref<32768xf32, #tpu.memory_space<vmem>>, vector<16xf32>,
        %broadcast_in_dim3A_54 = arith.constant true
        %broadcast_in_dim3A_55 = vector.broadcast %broadcast_in_dim3A_54 : i1 to vector<16xi1>
        %masked_cumsum3A = tpu.scan <sum>, %get3A_49 masked %broadcast_in_dim3A_55 : vector<16xf32>, vector<16xi1> -> vector<16xf32>
        %add3A_56 = vector.broadcast %scan3A_45 : f32 to vector<16xf32>
        %add3A_57 = arith.addf %masked_cumsum3A, %add3A_56 : vector<16xf32>
        %sub3A = vector.broadcast %reduce_sum3A_17 : f32 to vector<16xf32>
        %sub3A_58 = arith.subf %sub3A, %add3A_57 : vector<16xf32>
        %mul3A_59 = arith.constant 5.000000e-01 : f32
        %mul3A_60 = vector.broadcast %mul3A_59 : f32 to vector<16xf32>
        %mul3A_61 = arith.mulf %mul3A_60, %get3A_49 : vector<16xf32>
        %add3A_62 = arith.addf %sub3A_58, %mul3A_61 : vector<16xf32>
        %mul3A_63 = arith.mulf %get3A_53, %add3A_62 : vector<16xf32>
        %add3A_64 = arith.addf %scan3A_46, %mul3A_63 : vector<16xf32>
        %reduce_sum3A_65 = arith.constant true
        %reduce_sum3A_66 = vector.broadcast %reduce_sum3A_65 : i1 to vector<16xi1>
        %reduce_sum3A_67 = tpu.scan <sum>, %get3A_49 masked %reduce_sum3A_66 : vector<16xf32>, vector<16xi1> -> vector<16xf32>
        %reduce_sum3A_68 = vector.extract %reduce_sum3A_67[15] : f32 from vector<16xf32>
        %add3A_69 = arith.addf %scan3A_45, %reduce_sum3A_68 : f32
        %scan3A_70 = arith.constant 1 : i32
        %scan3A_71 = arith.addi %scan3A_44, %scan3A_70 : i32
        %mul3A_72 = arith.constant 16 : i32
        %mul3A_73 = arith.muli %scan3A_71, %mul3A_72 : i32
        %get3A_74 = arith.index_cast %mul3A_73 : i32 to index
        %get3A_75 = tpu.vector_load %arg9[%get3A_74] {strides = array<i32>} : memref<32768xf32, #tpu.memory_space<vmem>>, vector<16xf32>,
        %mul3A_76 = arith.constant 16 : i32
        %mul3A_77 = arith.muli %scan3A_71, %mul3A_76 : i32
        %get3A_78 = arith.index_cast %mul3A_77 : i32 to index
        %get3A_79 = tpu.vector_load %arg10[%get3A_78] {strides = array<i32>} : memref<32768xf32, #tpu.memory_space<vmem>>, vector<16xf32>,
        %broadcast_in_dim3A_80 = arith.constant true
        %broadcast_in_dim3A_81 = vector.broadcast %broadcast_in_dim3A_80 : i1 to vector<16xi1>
        %masked_cumsum3A_82 = tpu.scan <sum>, %get3A_75 masked %broadcast_in_dim3A_81 : vector<16xf32>, vector<16xi1> -> vector<16xf32>
        %add3A_83 = vector.broadcast %add3A_69 : f32 to vector<16xf32>
        %add3A_84 = arith.addf %masked_cumsum3A_82, %add3A_83 : vector<16xf32>
        %sub3A_85 = vector.broadcast %reduce_sum3A_17 : f32 to vector<16xf32>
        %sub3A_86 = arith.subf %sub3A_85, %add3A_84 : vector<16xf32>
        %mul3A_87 = arith.constant 5.000000e-01 : f32
        %mul3A_88 = vector.broadcast %mul3A_87 : f32 to vector<16xf32>
        %mul3A_89 = arith.mulf %mul3A_88, %get3A_75 : vector<16xf32>
        %add3A_90 = arith.addf %sub3A_86, %mul3A_89 : vector<16xf32>
        %mul3A_91 = arith.mulf %get3A_79, %add3A_90 : vector<16xf32>
        %add3A_92 = arith.addf %add3A_64, %mul3A_91 : vector<16xf32>
        %reduce_sum3A_93 = arith.constant true
        %reduce_sum3A_94 = vector.broadcast %reduce_sum3A_93 : i1 to vector<16xi1>
        %reduce_sum3A_95 = tpu.scan <sum>, %get3A_75 masked %reduce_sum3A_94 : vector<16xf32>, vector<16xi1> -> vector<16xf32>
        %reduce_sum3A_96 = vector.extract %reduce_sum3A_95[15] : f32 from vector<16xf32>
        %add3A_97 = arith.addf %add3A_69, %reduce_sum3A_96 : f32
        scf.yield %add3A_97, %add3A_92 : f32, vector<16xf32>
      }
      %scan3A_28 = arith.constant 2048 : i32
      %reduce_sum3A_29 = arith.constant true
      %reduce_sum3A_30 = vector.broadcast %reduce_sum3A_29 : i1 to vector<16xi1>
      %reduce_sum3A_31 = tpu.scan <sum>, %scan3A_27#1 masked %reduce_sum3A_30 : vector<16xf32>, vector<16xi1> -> vector<16xf32>
      %reduce_sum3A_32 = vector.extract %reduce_sum3A_31[15] : f32 from vector<16xf32>
      %broadcast_in_dim3A_33 = vector.broadcast %reduce_sum3A_32 : f32 to vector<16xf32>
      %mul3A_34 = arith.mulf %reduce_sum3A_17, %reduce_sum3A_21 : f32
      %broadcast_in_dim3A_35 = vector.broadcast %mul3A_34 : f32 to vector<16xf32>
      %eq3A = arith.constant 0.000000e+00 : f32
      %eq3A_36 = vector.broadcast %eq3A : f32 to vector<16xf32>
      %eq3A_37 = arith.cmpf oeq, %broadcast_in_dim3A_35, %eq3A_36 : vector<16xf32>
      %broadcast_in_dim3A_38 = arith.constant 5.000000e-01 : f32
      %broadcast_in_dim3A_39 = vector.broadcast %broadcast_in_dim3A_38 : f32 to vector<16xf32>
      %broadcast_in_dim3A_40 = arith.constant 1.000000e+00 : f32
      %broadcast_in_dim3A_41 = vector.broadcast %broadcast_in_dim3A_40 : f32 to vector<16xf32>
      %select_n3A = arith.select %eq3A_37, %broadcast_in_dim3A_41, %broadcast_in_dim3A_35 : vector<16xi1>, vector<16xf32>
      %div3A = arith.divf %broadcast_in_dim3A_33, %select_n3A : vector<16xf32>
      %select_n3A_42 = arith.select %eq3A_37, %broadcast_in_dim3A_39, %div3A : vector<16xi1>, vector<16xf32>
      %swap3A = arith.constant 0 : index
      %swap3A_43 = tpu.vector_load %arg11[%swap3A] {strides = array<i32>} : memref<16xf32, #tpu.memory_space<vmem>>, vector<16xf32>,
      tpu.vector_store %arg11[%swap3A], %select_n3A_42 {strides = array<i32>} : memref<16xf32, #tpu.memory_space<vmem>>, vector<16xf32>,
      "tpu.region"() ({
        %run_scoped3A = tpu.sem_alloc : memref<!tpu.dma_semaphore, #tpu.memory_space<semaphore_mem>>
        %dma_start3A = arith.constant 0 : i32
        %dma_start3A_44 = tpu.memref_slice %arg5[%add3A, %dma_start3A] : memref<26x16xf32, #tpu.memory_space<hbm>> -> memref<1x16xf32, #tpu.memory_space<hbm>>
        %dma_start3A_45 = tpu.memref_squeeze %dma_start3A_44 : memref<1x16xf32, #tpu.memory_space<hbm>> -> memref<16xf32, #tpu.memory_space<hbm>>
        %dma_start3A_46 = arith.constant 0 : i32
        %dma_start3A_47 = tpu.memref_slice %arg5[%add3A, %dma_start3A_46] : memref<26x16xf32, #tpu.memory_space<hbm>> -> memref<1x16xf32, #tpu.memory_space<hbm>>
        %dma_start3A_48 = tpu.memref_squeeze %dma_start3A_47 : memref<1x16xf32, #tpu.memory_space<hbm>> -> memref<16xf32, #tpu.memory_space<hbm>>
        tpu.enqueue_dma source(%arg11 : memref<16xf32, #tpu.memory_space<vmem>>) target(%dma_start3A_48 : memref<16xf32, #tpu.memory_space<hbm>>) target_semaphore(%run_scoped3A : memref<!tpu.dma_semaphore, #tpu.memory_space<semaphore_mem>>)
        %dma_wait3A = arith.constant 0 : i32
        %dma_wait3A_49 = tpu.memref_slice %arg5[%add3A, %dma_wait3A] : memref<26x16xf32, #tpu.memory_space<hbm>> -> memref<1x16xf32, #tpu.memory_space<hbm>>
        %dma_wait3A_50 = tpu.memref_squeeze %dma_wait3A_49 : memref<1x16xf32, #tpu.memory_space<hbm>> -> memref<16xf32, #tpu.memory_space<hbm>>
        %dma_wait3A_51 = arith.constant 0 : i32
        %dma_wait3A_52 = tpu.memref_slice %arg5[%add3A, %dma_wait3A_51] : memref<26x16xf32, #tpu.memory_space<hbm>> -> memref<1x16xf32, #tpu.memory_space<hbm>>
        %dma_wait3A_53 = tpu.memref_squeeze %dma_wait3A_52 : memref<1x16xf32, #tpu.memory_space<hbm>> -> memref<16xf32, #tpu.memory_space<hbm>>
        tpu.wait_dma2 semaphore(%run_scoped3A : memref<!tpu.dma_semaphore, #tpu.memory_space<semaphore_mem>>) src(%arg11 : memref<16xf32, #tpu.memory_space<vmem>>) dst(%dma_wait3A_53 : memref<16xf32, #tpu.memory_space<hbm>>)
        tpu.yield
      }) : () -> ()
    } else {
    }
    return
  }
}

</mosaic_0001>

<sc_bundles>
// kernel: kernel.3.cloned.1.call-start
scs
__scs_entry_jumppad:
0x0: {  	(pc) =	sbr.rel $0x88, $3  }
0x1: {  	(tag) =	ssettag $0x0;
	lr =	simm.s32 $0x1  }
0x2: {  	[smem:$0x3F9E] =	sst lr;
	_ =	strace $0xD0000000  }
0x3: {  	_ = 	snop  }
0x4: {  	_ = 	snop  }
0x5: {  	_ = 	snop  }
0x6: {  	_ = 	snop  }
0x7: {  	_ = 	snop  }
__scs_overlays_trampoline_lowered:
0x8: {  	[smem:$0x3FAD] =	sst s0  }
0x9: {  	[smem:$0x3FAE] =	sst s1  }
0xa: {  	[smem:$0x3FAF] =	sst s2  }
0xb: {  	[smem:$0x3FB0] =	sst s3  }
0xc: {  	[smem:$0x3FB1] =	sst s4  }
0xd: {  	[smem:$0x3FB2] =	sst s5  }
0xe: {  	[smem:$0x3FB3] =	sst s6  }
0xf: {  	[smem:$0x3FB4] =	sst s7  }
0x10: {  	[smem:$0x3FB5] =	sst s8  }
0x11: {  	[smem:$0x3FB6] =	sst s9;
	s0 =	simm.s32 @!p0 $0x0  }
0x12: {  	s1 =	sld [smem:$0x3F9C];
	s0 =	simm.s32 @p0 $0x1  }
0x13: {  	[smem:$0x3FB7] =	sst s0;
	s0 =	simm.s32 @!p1 $0x0  }
0x14: {  	s2 =	sld [smem:$0x3F9B];
	s0 =	simm.s32 @p1 $0x1  }
0x15: {  	[smem:$0x3FB8] =	sst s0;
	s0 =	simm.s32 @!p2 $0x0  }
0x16: {  	s3 =	sld [smem:$0x3FDB];
	s0 =	simm.s32 @p2 $0x1  }
0x17: {  	s4 =	simm.s32 $0x1BF5;
	[smem:$0x3FBA] =	sst s0  }
0x18: {  	s0 =	sld [smem:$0x3F9D];
	_ =	swait.ge [sflag:s4], $0x0  }
0x19: {  	s7 =	sld [smem:$0x3F9E]  }
0x1a: {  	s8 =	sadd.s32 $0xFFFFE003, lr  }
0x1b: {  	s9 =	sadd.s32 $0xFFFFFEF7, lr;
	s5 =	simm.s32 $0xFFFFFFFF;
	p2 =	slt.u32 s8, $0xFFFFF086  }
0x1c: {  	p1 =	slt.u32 s9, $0xF7A;
	s5 =	simm.s32 @!p2 $0x0  }
0x1d: {  	s5 =	simm.s32 @p1 $0x1;
	p0 =	seq.s32 s7, s2  }
0x1e: {  	s7 =	smul.u32 @!p0 $0xF7A, s2;
	p2 =	seq.s32 @!p0 s5, $0x0  }
0x1f: {  	s9 =	smul.u32 $0xF7A, s1;
	s8 =	simm.s32 @!p0 $0x1BF5;
	p2 =	por !p2, p0  }
0x20: {  	[sflag:s8] =	ssyncset.s32 @!p0 $0xFFFFF086;
	s6 =	sadd.s32 @!p0 s3, s7;
	s7 =	simm.s32 @!p0 $0x108  }
0x21: {  	s3 =	sadd.s32 s3, s9;
	s6 =	sadd.s32 @!p0 $0x88, s6;
	s7 =	simm.s32 @p2 $0x1082  }
0x22: {  	[simem:s7], [sflag:s8] =	dma.local @!p0 [hbm:s6], $0xF7A  }
0x23: {  	s9 =	sor.u32 $0xD0000000, s2;
	s6 =	simm.s32 $0x108;
	_ =	swait.ge @!p0 [sflag:s8], $0x0  }
0x24: {  	s3 =	sadd.s32 $0x88, s3;
	s6 =	simm.s32 @!p1 $0x1082;
	[sflag:s4] =	ssyncset.s32 $0xFFFFF086  }
0x25: {  	[simem:s6], [sflag:s4] =	dma.local [hbm:s3], $0xF7A  }
0x26: {  	[smem:$0x3F9E] =	sst s1;
	(tag) =	ssettag s2;
	_ =	strace s9  }
0x27: {  	s1 =	sld [smem:$0x3FAE]  }
0x28: {  	s2 =	sld [smem:$0x3FAF]  }
0x29: {  	s4 =	sld [smem:$0x3FB1]  }
0x2a: {  	p0 =	seq.s32 s5, $0x0;
	s5 =	sld [smem:$0x3FB2]  }
0x2b: {  	s6 =	sld [smem:$0x3FB3]  }
0x2c: {  	s7 =	sld [smem:$0x3FB4]  }
0x2d: {  	s3 =	simm.s32 $0x108;
	s8 =	sld [smem:$0x3FB5]  }
0x2e: {  	s3 =	simm.s32 @!p0 $0x1082;
	s9 =	sld [smem:$0x3FB6]  }
0x2f: {  	lr =	sadd.s32 s0, s3;
	s0 =	sld [smem:$0x3FAD]  }
0x30: {  	s3 =	sld [smem:$0x3FB0]  }
0x31: {  	[smem:$0x3FB9] =	sst s10  }
0x32: {  	s10 =	sld [smem:$0x3FB7];
	_ =	sdelay $0x3  }
0x33: {  	p0 =	seq.s32 s10, $0x1;
	s10 =	sld [smem:$0x3FB9];
	_ =	sdelay $0x3  }
0x34: {  	[smem:$0x3FB9] =	sst s10  }
0x35: {  	s10 =	sld [smem:$0x3FB8];
	_ =	sdelay $0x3  }
0x36: {  	p1 =	seq.s32 s10, $0x1;
	s10 =	sld [smem:$0x3FB9];
	_ =	sdelay $0x3  }
0x37: {  	[smem:$0x3FB9] =	sst s10  }
0x38: {  	s10 =	sld [smem:$0x3FBA]  }
0x39: {  	_ = 	snop;
	(pc) =	sbr.ind lr, $3  }
0x3a: {  	_ = 	snop  }
0x3b: {  	_ = 	snop  }
0x3c: {  	p2 =	seq.s32 s10, $0x1;
	s10 =	sld [smem:$0x3FB9]  }
0x3d: {  	_ =	shalt  }
0x3e: {  	_ =	shalt  }
0x3f: {  	_ =	shalt  }
0x40: {  	_ =	shalt  }
0x41: {  	_ =	shalt  }
0x42: {  	_ =	shalt  }
0x43: {  	_ =	shalt  }
0x44: {  	_ =	shalt  }
0x45: {  	_ =	shalt  }
0x46: {  	_ =	shalt  }
0x47: {  	_ =	shalt  }
0x48: {  	_ =	shalt  }
0x49: {  	_ =	shalt  }
0x4a: {  	_ =	shalt  }
0x4b: {  	_ =	shalt  }
0x4c: {  	_ =	shalt  }
0x4d: {  	_ =	shalt  }
0x4e: {  	_ =	shalt  }
0x4f: {  	_ =	shalt  }
0x50: {  	_ =	shalt  }
0x51: {  	_ =	shalt  }
0x52: {  	_ =	shalt  }
0x53: {  	_ =	shalt  }
0x54: {  	_ =	shalt  }
0x55: {  	_ =	shalt  }
0x56: {  	_ =	shalt  }
0x57: {  	_ =	shalt  }
0x58: {  	_ =	shalt  }
0x59: {  	_ =	shalt  }
0x5a: {  	_ =	shalt  }
0x5b: {  	_ =	shalt  }
0x5c: {  	_ =	shalt  }
0x5d: {  	_ =	shalt  }
0x5e: {  	_ =	shalt  }
0x5f: {  	_ =	shalt  }
0x60: {  	_ =	shalt  }
0x61: {  	_ =	shalt  }
0x62: {  	_ =	shalt  }
0x63: {  	_ =	shalt  }
0x64: {  	_ =	shalt  }
0x65: {  	_ =	shalt  }
0x66: {  	_ =	shalt  }
0x67: {  	_ =	shalt  }
0x68: {  	_ =	shalt  }
0x69: {  	_ =	shalt  }
0x6a: {  	_ =	shalt  }
0x6b: {  	_ =	shalt  }
0x6c: {  	_ =	shalt  }
0x6d: {  	_ =	shalt  }
0x6e: {  	_ =	shalt  }
0x6f: {  	_ =	shalt  }
0x70: {  	_ =	shalt  }
0x71: {  	_ =	shalt  }
0x72: {  	_ =	shalt  }
0x73: {  	_ =	shalt  }
0x74: {  	_ =	shalt  }
0x75: {  	_ =	shalt  }
0x76: {  	_ =	shalt  }
0x77: {  	_ =	shalt  }
0x78: {  	_ =	shalt  }
0x79: {  	_ =	shalt  }
0x7a: {  	_ =	shalt  }
0x7b: {  	_ =	shalt  }
0x7c: {  	_ =	shalt  }
0x7d: {  	_ =	shalt  }
0x7e: {  	_ =	shalt  }
0x7f: {  	_ =	shalt  }
0x80: {  	_ =	shalt  }
0x81: {  	_ =	shalt  }
0x82: {  	_ =	shalt  }
0x83: {  	_ =	shalt  }
0x84: {  	_ =	shalt  }
0x85: {  	_ =	shalt  }
0x86: {  	_ =	shalt  }
0x87: {  	_ =	shalt  }
.Lfunc_end0:
.L_simem_size_0:
called_computation_lowered:
.L_overlay_start_0:
0x88: {  	s2 =	sld [smem:$0x3FD9]  }
0x89: {  	s3 =	sld [smem:$0x3FFE];
	_ =	sdelay $0x1  }
0x8a: {  	s1 =	srdreg.scid  }
0x8b: {  	s0 =	sand.u32 $0x1, s1  }
0x8c: {  	s17 =	sshll.u32 s0, $0xA;
	s2 =	sadd.s32 s3, s2  }
0x8d: {  	s2 =	sadd.s32 s2, s17  }
0x8e: {  	[smem:$0x3FC5] =	sst s2  }
0x8f: {  	_ = 	snop  }
0x90: {  	s2 =	sld [smem:$0x3FC9]  }
0x91: {  	s18 =	sld [smem:$0x3FC8]  }
0x92: {  	s4 =	sld [smem:$0x3FC7];
	(tm) =	ssettm $0x1  }
0x93: {  	s5 =	sld [smem:$0x3FFB];
	_ =	sdelay $0x3  }
0x94: {  	_ =	strace s5  }
0x95: {  	s5 =	sld [smem:$0x3FFC];
	_ =	sdelay $0x3  }
0x96: {  	_ =	strace s5  }
0x97: {  	s5 =	sld [smem:$0x3FFD];
	_ =	sdelay $0x3  }
0x98: {  	_ =	strace s5  }
0x99: {  	_ =	strace $0x8FFFFFFF  }
0x9a: {  	s19 =	sld [smem:$0x3FDB];
	_ =	sdelay $0x1  }
0x9b: {  	s6 =	simm.s32 $_scs_section_size  }
0x9c: {  	s7 =	simm.s32 $_size__tile_overlayer_lowered;
	s8 =	simm.s32 $_tile_overlayer_lowered  }
0x9d: {  	s22 =	simm.s32 $0x1BFF;
	s21 =	sshll.u32 s8, $0x1;
	s5 =	sadd.s32 s6, s19  }
0x9e: {  	s9 =	simm.s32 $0x0;
	s20 =	sshll.u32 s7, $0x1;
	s7 =	sadd.s32 s21, s5  }
0x9f: {  	[timem:s9], [sflag:s22] =	dma.local [hbm:s7], s20  }
0xa0: {  	_ =	swait.ge [sflag:s22], s20  }
0xa1: {  	s6 =	ssub.s32 $0x0, s20;
	[sflag:s22] =	ssyncset.done $0x0  }
0xa2: {  	[sflag:s22] =	ssyncadd.s32 s6;
	_ =	sdelay $0x1  }
0xa3: {  	s23 =	simm.s32 $0x1B8B  }
0xa4: {  	_ =	swait.ge [sflag:s23], $0x1  }
0xa5: {  	[sflag:s23] =	ssyncset.done $0x0  }
0xa6: {  	s25 =	simm.s32 $0x1B8E;
	s24 =	sld [smem:$0x3FFE];
	[sflag:s23] =	ssyncadd.s32 $0xFFFFFFFF  }
0xa7: {  	s26 =	simm.s32 $execute0_lowered;
	[smem:$0x3FD2] =	sst s25  }
0xa8: {  	s7 =	sshll.u32 s26, $0x1;
	_ =	strace $0x80000046;
	[dreg:$0x1] =	wrdreg $0xFFFFFFFF  }
0xa9: {  	s28 =	simm.s32 $_size_execute0_lowered;
	s5 =	sadd.s32 s5, s7;
	[dreg:$0x0] =	wrdreg $0x0  }
0xaa: {  	s7 =	sshll.u32 s28, $0x1;
	[dreg:$0x2] =	wrdreg s5  }
0xab: {  	[dreg:$0x3] =	wrdreg s7  }
0xac: {  	[dreg:$0x4] =	wrdreg $0xC0  }
0xad: {  	_ =	task [dreg:s9], $0x5FFFF  }
0xae: {  	[dreg:$0x1] =	wrdreg $0xFFFFFFFF  }
0xaf: {  	[dreg:$0x0] =	wrdreg $0x60  }
0xb0: {  	[dreg:$0x2] =	wrdreg s2  }
0xb1: {  	[dreg:$0x3] =	wrdreg s18  }
0xb2: {  	[dreg:$0x4] =	wrdreg s4  }
0xb3: {  	[dreg:$0x5] =	wrdreg s24  }
0xb4: {  	[dreg:$0x6] =	wrdreg $0x9  }
0xb5: {  	_ =	task.clear_ibuf [dreg:s9], $0x7FFFF;
	_ =	strace $0x90000046  }
0xb6: {  	s29 =	simm.s32 $0x9;
	_ =	strace $0x80000048  }
0xb7: {  	_ =	swait.ge [sflag:s29], $0x1  }
0xb8: {  	[sflag:s29] =	ssyncadd.s32 $0xFFFFFFFF  }
0xb9: {  	_ =	strace $0x90000048  }
0xba: {  	_ =	sfence  }
0xbb: {  	s30 =	sld [smem:$0x0];
	_ =	sdelay $0x2  }
0xbc: {  	s31 =	sshll.u32 s1, $0xD;
	s1 =	sshrl.u32 s1, $0x2  }
0xbd: {  	s3 =	sand.u32 $0x4000, s31;
	s1 =	sadd.s32 s1, s30  }
0xbe: {  	s0 =	sor.u32 s3, s0;
	s1 =	sshll.u32 s1, $0x11  }
0xbf: {  	s0 =	sor.u32 s1, s0  }
0xc0: {  	s0 =	sadd.s32 $0x8F2B, s0  }
0xc1: {  	[sflag:s0] =	ssyncadd.remote.s32 $0x1  }
0xc2: {  	_ =	sfence.sel $0xFFFF  }
0xc3: {  	[dreg:$0x0] =	wrdreg $0xFFFFFFFF;
	(pc) =	sbr.abs _section_cstart, $3  }
0xc4: {  	[dreg:$0x1] =	wrdreg $0xFFFFFFFF  }
0xc5: {  	_ =	task.clear_ibuf [dreg:s9], $0x2FFFF;
	_ =	strace $0x9FFFFFFF  }
0xc6: {  	(tm) =	ssettm $0x7FFFFFFF  }
0xc7: {  	_ =	shalt  }
tec
execute0_lowered:
.L_overlay_start_1:
0x0: {  	(tag) =	ssettag $0x1  }
0x1: {  	s1 =	stileid.u32  }
0x2: {  	s6 =	rddreg [dreg:$0x0];
	p0 =	sgt.u32 s1, $0xC  }
.Ltmp0:
0x3: {  	s3 =	rddreg [dreg:$0x1];
	(pc) =	sbr.rel @p0 .LBB2_9-.Ltmp0, $4  }
0x4: {  	s4 =	rddreg [dreg:$0x2]  }
0x5: {  	s5 =	rddreg [dreg:$0x3];
	s2 =	simm.s32 $0x0  }
0x6: {  	[smem:$0x7FF] =	sst s2  }
0x7: {  	s0 =	rddreg [dreg:$0x4];
	_ =	strace $0x80000047  }
0x8: {  	s7 =	srdreg.scid;
	s8 =	sshll.u32 s1, $0x8;
	s9 =	sshrl.u32 s1, $0x2  }
0x9: {  	s11 =	simm.s32 $0x4000;
	s12 =	simm.s32 $0x8000;
	s13 =	simm.s32 $0xC000  }
0xa: {  	s14 =	simm.s32 $0x14000;
	s15 =	simm.s32 $0x1C000;
	s7 =	sand.u32 $0x1, s7  }
0xb: {  	s16 =	simm.s32 $0x0;
	s8 =	sand.u32 $0x300, s8;
	s10 =	sshll.u32 s7, $0x7  }
0xc: {  	s30 =	sshll.u32 s9, $0x11;
	s7 =	ssub.s32 $0x2, s7;
	s8 =	sor.u32 s10, s8  }
0xd: {  	s9 =	sshll.u32 s9, $0xA;
	s31 =	sshrl.u32 s7, $0x1;
	s10 =	sor.u32 s30, s8  }
0xe: {  	s8 =	sor.u32 s9, s8;
	s7 =	ssub.s32 s7, s31;
	s9 =	simm.s32 $0x400  }
0xf: {  	s10 =	sshrl.u32 s10, $0x3;
	s8 =	sshrl.u32 s8, $0x3;
	s7 =	smax.u32 s7, $0x1  }
0x10: {  	s3 =	sadd.s32 s3, s10;
	s4 =	sadd.s32 s4, s10;
	s5 =	sadd.s32 s5, s8  }
0x11: {  	s6 =	sadd.s32 s6, s10;
	s8 =	simm.s32 $0x80;
	s10 =	simm.s32 $0x1  }
.LBB2_2:
0x12: {  	[tilespmem:s2], [sflag:$0x1] =	stream.strided.gather [hbm4b:s6+s8], $0x4000, s9, s8, $0x38;
	[tilespmem:$0x1C080] =	vst v63  }
0x13: {  	_ =	swait.ge [sflag:s10], $0x4000  }
0x14: {  	[sflag:s10] =	ssyncset.done $0x0  }
0x15: {  	[sflag:s10] =	ssyncadd.s32 $0xFFFFC000  }
0x16: {  	[tilespmem:s11], [sflag:$0x1] =	stream.strided.gather [hbm4b:s3+s8], $0x4000, s9, s8, $0x38;
	[tilespmem:$0x1C080] =	vst v63  }
0x17: {  	_ =	swait.ge [sflag:s10], $0x4000  }
0x18: {  	[sflag:s10] =	ssyncset.done $0x0  }
0x19: {  	[sflag:s10] =	ssyncadd.s32 $0xFFFFC000  }
0x1a: {  	[tilespmem:s12], [sflag:$0x1] =	stream.strided.gather [hbm4b:s4+s8], $0x4000, s9, s8, $0x38;
	[tilespmem:$0x1C080] =	vst v63  }
0x1b: {  	_ =	swait.ge [sflag:s10], $0x4000  }
0x1c: {  	[sflag:s10] =	ssyncset.done $0x0  }
0x1d: {  	s17 =	simm.s32 $0xC020;
	v0 =	vimm.f32 $0.0e+00;
	[sflag:s10] =	ssyncadd.s32 $0xFFFFC000  }
0x1e: {  	s18 =	simm.s32 $0x14020;
	[tilespmem:s17+$0xFFFFFFE0] =	vst v0  }
0x1f: {  	[tilespmem:s18+$0xFFFFFFE0] =	vst v0  }
0x20: {  	[tilespmem:s17+$0xFFFFFFF0] =	vst v0  }
0x21: {  	[tilespmem:s18+$0xFFFFFFF0] =	vst v0  }
0x22: {  	[tilespmem:s17+$0x0] =	vst v0  }
0x23: {  	[tilespmem:s18+$0x0] =	vst v0  }
0x24: {  	[tilespmem:s17+$0x10] =	vst v0  }
0x25: {  	[tilespmem:s18+$0x10] =	vst v0;
	s18 =	simm.s32 $0xC060  }
0x26: {  	s19 =	simm.s32 $0x14060;
	[tilespmem:s18+$0xFFFFFFE0] =	vst v0  }
0x27: {  	[tilespmem:s19+$0xFFFFFFE0] =	vst v0  }
0x28: {  	[tilespmem:s18+$0xFFFFFFF0] =	vst v0  }
0x29: {  	[tilespmem:s19+$0xFFFFFFF0] =	vst v0  }
0x2a: {  	[tilespmem:s18+$0x0] =	vst v0  }
0x2b: {  	[tilespmem:s19+$0x0] =	vst v0  }
0x2c: {  	s20 =	simm.s32 $0x4;
	[tilespmem:s18+$0x10] =	vst v0  }
.LBB2_3:
0x2d: {  	s20 =	sadd.s32 $0x4, s20;
	[tilespmem:s19+$0x10] =	vst v0;
	s18 =	sadd.s32 $0x40, s18;
	s17 =	simm.s32 $0xFFFFFFFE  }
0x2e: {  	s19 =	sadd.s32 $0x40, s19;
	[tilespmem:s18+$0xFFFFFFE0] =	vst v0;
	p0 =	slt.u32 s20, $0x7FC  }
0x2f: {  	[tilespmem:s19+$0xFFFFFFE0] =	vst v0  }
.Ltmp1:
0x30: {  	[tilespmem:s18+$0xFFFFFFF0] =	vst v0;
	(pc) =	sbr.rel @p0 .LBB2_3-.Ltmp1, $4  }
0x31: {  	[tilespmem:s19+$0xFFFFFFF0] =	vst v0  }
0x32: {  	[tilespmem:s18+$0x0] =	vst v0  }
0x33: {  	[tilespmem:s19+$0x0] =	vst v0  }
0x34: {  	[tilespmem:s18+$0x10] =	vst v0  }
0x35: {  	[tilespmem:s19+$0x10] =	vst v0;
	s18 =	simm.s32 $0x4010;
	s19 =	simm.s32 $0x8010;
	s20 =	simm.s32 $0x10;
	v1 =	vmov v0  }
.LBB2_5:
0x36: {  	v2 =	vld [tilespmem:s20+$0xFFFFFFF0];
	_ =	sdelay $0x3  }
0x37: {  	v3 =	vld [tilespmem:s19+$0xFFFFFFF0]  }
0x38: {  	v5 =	vld [tilespmem:s18+$0xFFFFFFF0];
	v4 =	vshra.s32 v2, $0x1F  }
0x39: {  	v4 =	vor.u32 $0x80000000, v4  }
0x3a: {  	v2 =	vxor.u32 v2, v4  }
0x3b: {  	v2 =	vshrl.u32 v2, $0x11;
	_ =	sdelay $0x1  }
0x3c: {  	v61 =	vmul.f32 v5, v3;
	_ =	sdelay $0x1  }
0x3d: {  	v3 =	vsub.f32 v3, v61  }
0x3e: {  	[tilespmem:v2+s13+$0x0] =	vst.idx.add.f32.msk $0xffff, v61  }
0x3f: {  	[tilespmem:v2+s14+$0x0] =	vst.idx.add.f32.msk $0xffff, v3  }
0x40: {  	v2 =	vld [tilespmem:s20+$0x0];
	_ =	sdelay $0x3  }
0x41: {  	v62 =	vld [tilespmem:s19+$0x0]  }
0x42: {  	v7 =	vld [tilespmem:s18+$0x0];
	v6 =	vshra.s32 v2, $0x1F  }
0x43: {  	v6 =	vor.u32 $0x80000000, v6  }
0x44: {  	v2 =	vxor.u32 v2, v6  }
0x45: {  	s17 =	sadd.s32 $0x2, s17;
	v2 =	vshrl.u32 v2, $0x11  }
0x46: {  	p0 =	slt.u32 s17, $0x3FE  }
.Ltmp2:
0x47: {  	v63 =	vmul.f32 v7, v62;
	(pc) =	sbr.rel @p0 .LBB2_5-.Ltmp2, $4  }
0x48: {  	v1 =	vadd.f32 v61, v1  }
0x49: {  	v0 =	vadd.f32 v3, v0;
	v3 =	vsub.f32 v62, v63  }
0x4a: {  	[tilespmem:v2+s13+$0x0] =	vst.idx.add.f32.msk $0xffff, v63  }
0x4b: {  	s18 =	sadd.s32 $0x20, s18;
	s19 =	sadd.s32 $0x20, s19;
	s20 =	sadd.s32 $0x20, s20;
	v1 =	vadd.f32 v63, v1;
	v0 =	vadd.f32 v3, v0;
	[tilespmem:v2+s14+$0x0] =	vst.idx.add.f32.msk $0xffff, v3  }
0x4c: {  	s17 =	simm.s32 $0xC010  }
0x4d: {  	v3 =	vld [tilespmem:s17+$0xFFFFFFF0];
	_ =	sdelay $0x1  }
0x4e: {  	v4 =	vld [tilespmem:s17+$0x0];
	_ =	sdelay $0x1  }
0x4f: {  	(xrf2) =	vadd.scan.msk.f32 $0xffff, v1  }
0x50: {  	s24 =	simm.s32 $0xC030;
	(xrf2) =	vadd.scan.msk.f32 $0xffff, v3  }
0x51: {  	v15 =	vld [tilespmem:s24+$0xFFFFFFF0]  }
0x52: {  	(xrf2) =	vadd.scan.msk.f32 $0xffff, v4;
	_ =	sdelay $0x2  }
0x53: {  	v16 =	vld [tilespmem:s24+$0x0]  }
0x54: {  	(xrf2) =	vadd.scan.msk.f32 $0xffff, v15;
	_ =	sdelay $0x2  }
0x55: {  	v2, _, _ =	vpop (xrf2)  }
0x56: {  	(xrf2) =	vadd.scan.msk.f32 $0xffff, v16;
	v7, _, _ =	vpop (xrf2)  }
0x57: {  	s25 =	simm.s32 $0xC050;
	(v2sf) =	vpush v7, $0xF  }
0x58: {  	v14 =	vld [tilespmem:s25+$0xFFFFFFF0];
	v8, _, _ =	vpop (xrf2)  }
0x59: {  	(v2sf) =	vpush v8, $0xF  }
0x5a: {  	s26 =	simm.s32 $0xC070;
	v13 =	vld [tilespmem:s25+$0x0]  }
0x5b: {  	v10 =	vld [tilespmem:s26+$0xFFFFFFF0]  }
0x5c: {  	v6 =	vld [tilespmem:s26+$0x0];
	v21, _, _ =	vpop (xrf2)  }
0x5d: {  	(xrf2) =	vadd.scan.msk.f32 $0xffff, v14;
	(v2sf) =	vpush v21, $0xF;
	_ =	sdelay $0x1  }
0x5e: {  	(xrf2) =	vadd.scan.msk.f32 $0xffff, v13  }
0x5f: {  	v26, _, _ =	vpop (xrf2);
	(xrf2) =	vadd.scan.msk.f32 $0xffff, v10  }
0x60: {  	(xrf2) =	vadd.scan.msk.f32 $0xffff, v6;
	_ =	sdelay $0x1  }
0x61: {  	(v2sf) =	vpush v26, $0xF  }
0x62: {  	s28 =	simm.s32 $0x14010  }
0x63: {  	s23 =	simm.s32 $0xC090;
	v23 =	vld [tilespmem:s28+$0x0]  }
0x64: {  	s21 =	simm.s32 $0x14050;
	s20 =	simm.f32 $0.0e+00;
	v12 =	vld [tilespmem:s23+$0xFFFFFFF0];
	s22 =	spop (v2sf)  }
0x65: {  	v11 =	vld [tilespmem:s21+$0x0];
	v1 =	vbroadcast v2, $0xF;
	v7 =	vadd.f32 s20, v7;
	v20, _, _ =	vpop (xrf2);
	s29 =	sadd.f32 s22, s20  }
0x66: {  	v22 =	vld [tilespmem:s28+$0xFFFFFFF0];
	s30 =	spop (v2sf);
	(v2sf) =	vpush v20, $0xF  }
0x67: {  	s18 =	simm.s32 $0x14070;
	v9 =	vld [tilespmem:s23+$0x0];
	v7 =	vsub.f32 v1, v7;
	v19, _, _ =	vpop (xrf2);
	s31 =	sadd.f32 s30, s29  }
0x68: {  	v5 =	vld [tilespmem:s18+$0x0];
	s24 =	simm.s32 $0xC0B0;
	v3 =	vmul.f32 $5.000000000e-01, v3;
	v18, _, _ =	vpop (xrf2);
	(v2sf) =	vpush v19, $0xF;
	v24 =	vadd.f32 s29, v8  }
0x69: {  	v63 =	vmul.f32 $5.000000000e-01, v15;
	v15 =	vld [tilespmem:s24+$0x0];
	(xrf2) =	vadd.scan.msk.f32 $0xffff, v12;
	(v2sf) =	vpush v18, $0xF;
	v28 =	vadd.f32 s31, v21;
	v21, _, _ =	vpop (xrf2)  }
0x6a: {  	s17 =	simm.s32 $0x140B0;
	v25 =	vadd.f32 v7, v3;
	s25 =	spop (v2sf);
	v8 =	vld [tilespmem:s24+$0xFFFFFFF0];
	(v2sf) =	vpush v21, $0xF  }
0x6b: {  	v27 =	vmul.f32 $5.000000000e-01, v4;
	v3 =	vld [tilespmem:s17+$0x0];
	s20 =	simm.s32 $0x14090;
	v24 =	vsub.f32 v1, v24  }
0x6c: {  	v22 =	vmul.f32 v25, v22;
	(xrf2) =	vadd.scan.msk.f32 $0xffff, v9;
	s22 =	simm.s32 $0x140D0;
	v7 =	vld [tilespmem:s20+$0x0]  }
0x6d: {  	s19 =	simm.s32 $0x14030;
	v29 =	vimm.f32 $0.0e+00;
	v4 =	vld [tilespmem:s22+$0x0];
	v25 =	vadd.f32 v24, v27  }
0x6e: {  	s25 =	sadd.f32 s25, s31;
	v27 =	vsub.f32 v1, v28;
	v24 =	vadd.f32 v22, v29;
	v22 =	vld [tilespmem:s19+$0xFFFFFFF0]  }
0x6f: {  	s23 =	simm.s32 $0xC;
	(xrf2) =	vadd.scan.msk.f32 $0xffff, v8;
	v25 =	vmul.f32 v25, v23  }
0x70: {  	v17 =	vld [tilespmem:s19+$0x0];
	s24 =	simm.s32 $0xC0D0;
	s26 =	spop (v2sf);
	v26 =	vadd.f32 s25, v26;
	s19 =	simm.s32 $0x140D0;
	v23 =	vadd.f32 v27, v63  }
.LBB2_7:
0x71: {  	v24 =	vadd.f32 v25, v24;
	v28 =	vmovc v11;
	v11 =	vmov v5;
	v5 =	vmov v7  }
0x72: {  	s23 =	sadd.s32 $0x2, s23;
	v27 =	vld [tilespmem:s24+$0xFFFFFFF0];
	s22 =	sadd.s32 $0x20, s22;
	s25 =	sadd.f32 s26, s25;
	v7 =	vmovc v3;
	v3 =	vmovc v4;
	v25 =	vmov v15;
	v29 =	vmov v19;
	v19 =	vmov v21  }
0x73: {  	v30 =	vmul.f32 $5.000000000e-01, v16;
	v4 =	vld [tilespmem:s22+$0x0];
	p0 =	slt.u32 s23, $0x7FE;
	(xrf2) =	vadd.scan.msk.f32 $0xffff, v25;
	v21, _, _ =	vpop (xrf2);
	v23 =	vmul.f32 v23, v22;
	v26 =	vsub.f32 v1, v26  }
.Ltmp3:
0x74: {  	v16 =	vmovc v13;
	v15 =	vld [tilespmem:s24+$0x0];
	(v2sf) =	vpush v21, $0xF;
	v31 =	vadd.f32 s25, v20;
	v20 =	vmovc v18;
	v18 =	vmov v21;
	(pc) =	sbr.rel @p0 .LBB2_7-.Ltmp3, $4  }
0x75: {  	v13 =	vmovc v6;
	v6 =	vmov v9;
	v9 =	vmov v25;
	v22 =	vld [tilespmem:s21+$0xFFFFFFF0];
	s26 =	spop (v2sf);
	v26 =	vadd.f32 v26, v30;
	s21 =	smov.u32 s18;
	s18 =	smov.u32 s20  }
0x76: {  	s20 =	smov.u32 s17;
	s17 =	smov.u32 s19;
	v21, _, _ =	vpop (xrf2);
	v30 =	vsub.f32 v1, v31;
	v31 =	vmul.f32 $5.000000000e-01, v14;
	s25 =	sadd.f32 s26, s25;
	v14 =	vmov v10  }
0x77: {  	v24 =	vadd.f32 v23, v24;
	s19 =	smov.u32 s22;
	v10 =	vmovc v12;
	(xrf2) =	vadd.scan.msk.f32 $0xffff, v27;
	(v2sf) =	vpush v21, $0xF;
	v25 =	vmul.f32 v26, v17;
	_ =	sdelay $0x1  }
0x78: {  	s24 =	sadd.s32 $0x20, s24;
	v12 =	vmovc v8;
	v8 =	vmovc v27;
	v17 =	vmov v28;
	v23 =	vadd.f32 v30, v31;
	v26 =	vadd.f32 s25, v29;
	s26 =	spop (v2sf)  }
0x79: {  	v27 =	vld [tilespmem:s24+$0xFFFFFFF0];
	_ =	sdelay $0x2  }
0x7a: {  	(xrf2) =	vadd.scan.msk.f32 $0xffff, v15;
	_ =	sdelay $0x1  }
0x7b: {  	v28, _, _ =	vpop (xrf2);
	(xrf2) =	vadd.scan.msk.f32 $0xffff, v27  }
0x7c: {  	(v2sf) =	vpush v28, $0xF  }
0x7d: {  	v29 =	vld [tilespmem:s24+$0x0]  }
0x7e: {  	v30, _, _ =	vpop (xrf2)  }
0x7f: {  	s22 =	sadd.f32 s26, s25;
	(v2sf) =	vpush v30, $0xF  }
0x80: {  	v26 =	vsub.f32 v1, v26;
	v16 =	vmul.f32 $5.000000000e-01, v16;
	s23 =	spop (v2sf);
	v31, _, _ =	vpop (xrf2)  }
0x81: {  	v20 =	vadd.f32 s22, v20;
	s22 =	sadd.f32 s23, s22;
	(v2sf) =	vpush v31, $0xF  }
0x82: {  	v24 =	vadd.f32 v25, v24;
	v22 =	vmul.f32 v23, v22;
	v16 =	vadd.f32 v26, v16;
	(xrf2) =	vadd.scan.msk.f32 $0xffff, v29  }
0x83: {  	v62 =	vld [tilespmem:s21+$0xFFFFFFF0];
	v14 =	vmul.f32 $5.000000000e-01, v14;
	s30 =	spop (v2sf);
	v20 =	vsub.f32 v1, v20;
	v19 =	vadd.f32 s22, v19;
	v63, _, _ =	vpop (xrf2)  }
0x84: {  	v22 =	vadd.f32 v22, v24;
	s21 =	sadd.f32 s30, s22;
	(v2sf) =	vpush v63, $0xF  }
0x85: {  	v16 =	vmul.f32 v16, v17;
	v14 =	vadd.f32 v20, v14;
	v26 =	vsub.f32 v1, v19;
	s31 =	spop (v2sf);
	v32, _, _ =	vpop (xrf2);
	(xrf2) =	vadd.scan.msk.f32 $0xffff, v0  }
0x86: {  	v13 =	vmul.f32 $5.000000000e-01, v13;
	v33 =	vadd.f32 s21, v18;
	s21 =	sadd.f32 s31, s21;
	(v2sf) =	vpush v32, $0xF  }
0x87: {  	v16 =	vadd.f32 v16, v22  }
0x88: {  	v34 =	vld [tilespmem:s18+$0xFFFFFFF0];
	v14 =	vmul.f32 v14, v62;
	v13 =	vadd.f32 v26, v13;
	s23 =	spop (v2sf);
	v35 =	vadd.f32 s21, v21  }
0x89: {  	v10 =	vmul.f32 $5.000000000e-01, v10;
	v6 =	vmul.f32 $5.000000000e-01, v6;
	s18 =	sadd.f32 s23, s21;
	v0 =	vsub.f32 v1, v33  }
0x8a: {  	v14 =	vadd.f32 v14, v16;
	v11 =	vmul.f32 v13, v11;
	v36 =	vsub.f32 v1, v35  }
0x8b: {  	v37 =	vadd.f32 s18, v28;
	s24 =	spop (v2sf);
	v0 =	vadd.f32 v0, v10  }
0x8c: {  	v12 =	vmul.f32 $5.000000000e-01, v12;
	v11 =	vadd.f32 v11, v14;
	v6 =	vadd.f32 v36, v6;
	v38, _, _ =	vpop (xrf2);
	s18 =	sadd.f32 s24, s18  }
0x8d: {  	v39 =	vld [tilespmem:s20+$0xFFFFFFF0];
	v13 =	vsub.f32 v1, v37;
	(v2sf) =	vpush v38, $0xF;
	v0 =	vmul.f32 v0, v34  }
0x8e: {  	(v2sf) =	vpush v2, $0xF;
	v40 =	vadd.f32 s18, v30;
	s25 =	spop (v2sf)  }
0x8f: {  	v9 =	vmul.f32 $5.000000000e-01, v9;
	v41 =	vadd.f32 v13, v12;
	s18 =	sadd.f32 s25, s18;
	v0 =	vadd.f32 v0, v11;
	v42, _, _ =	vpop (xrf2)  }
0x90: {  	v5 =	vmul.f32 v6, v5;
	v11 =	vsub.f32 v1, v40;
	s26 =	spop (v2sf);
	(v2sf) =	vpush v42, $0xF  }
0x91: {  	v43 =	vadd.f32 s18, v31;
	s18 =	sadd.f32 s26, s18  }
0x92: {  	v45 =	vld [tilespmem:s17+$0xFFFFFFF0];
	v44 =	vmul.f32 v41, v39;
	v0 =	vadd.f32 v5, v0;
	v9 =	vadd.f32 v11, v9  }
0x93: {  	v8 =	vmul.f32 $5.000000000e-01, v8;
	v2 =	vsub.f32 v1, v43;
	v46 =	vadd.f32 s18, v63;
	s28 =	spop (v2sf)  }
0x94: {  	v49 =	vmul.f32 $5.000000000e-01, v15;
	v0 =	vadd.f32 v44, v0;
	s17 =	sadd.f32 s28, s18  }
0x95: {  	v47 =	vmul.f32 v9, v7;
	v2 =	vadd.f32 v2, v8;
	v48 =	vsub.f32 v1, v46;
	s29 =	spop (v2sf)  }
0x96: {  	v50 =	vadd.f32 s17, v32;
	s17 =	sadd.f32 s29, s17  }
0x97: {  	v51 =	vld [tilespmem:s19+$0xFFFFFFF0];
	v0 =	vadd.f32 v47, v0;
	v2 =	vmul.f32 v2, v45;
	v52 =	vadd.f32 v48, v49  }
0x98: {  	v54 =	vmul.f32 $5.000000000e-01, v27;
	v53 =	vsub.f32 v1, v50;
	v55 =	vadd.f32 s17, v38  }
0x99: {  	v59 =	vmul.f32 $5.000000000e-01, v29;
	v0 =	vadd.f32 v2, v0  }
0x9a: {  	v56 =	vmul.f32 v52, v3;
	v57 =	vadd.f32 v53, v54;
	v58 =	vsub.f32 v1, v55;
	_ =	sdelay $0x1  }
0x9b: {  	v0 =	vadd.f32 v56, v0;
	v60 =	vmul.f32 v57, v51;
	v1 =	vadd.f32 v58, v59  }
0x9c: {  	s30 =	spop (v2sf)  }
0x9d: {  	s17 =	spop (v2sf);
	v0 =	vadd.f32 v60, v0;
	v1 =	vmul.f32 v1, v4  }
0x9e: {  	s31 =	spop (v2sf)  }
0x9f: {  	v0 =	vadd.f32 v1, v0;
	s17 =	smul.f32 s31, s17;
	_ =	sdelay $0x1  }
0xa0: {  	(xrf2) =	vadd.scan.msk.f32 $0xffff, v0;
	v61 =	vmov s17  }
0xa1: {  	vm0 =	veq.f32 v61, $0.0e+00  }
0xa2: {  	v0 =	vsel vm0, $0x3F800000, v61  }
0xa3: {  	(erf) = vrcp.f32 v0;
	_ =	sdelay $0x6  }
0xa4: {  	v62, _, _ =	vpop (xrf2)  }
0xa5: {  	v0 =	vbroadcast v62, $0xF  }
0xa6: {  	v63 =	vpop (erf)  }
0xa7: {  	v0 =	vmul.f32 v0, v63  }
0xa8: {  	s16 =	sadd.s32 $0x1, s16  }
0xa9: {  	p0 =	sne.s32 s16, s7;
	v0 =	vsel vm0, $0x3F000000, v0  }
.Ltmp4:
0xaa: {  	[tilespmem:$0x1C000] =	vst v0;
	(pc) =	sbr.rel @p0 .LBB2_2-.Ltmp4, $4  }
0xab: {  	[hbm4b:s5+s2] =	stream.linear.scatter [tilespmem:s15], [sflag:$0x1], $0x80, $0x38;
	[tilespmem:$0x1C080] =	vst v63  }
0xac: {  	_ =	swait.ge [sflag:s10], $0x80  }
0xad: {  	[sflag:s10] =	ssyncset.done $0x0  }
0xae: {  	[sflag:s10] =	ssyncadd.s32 $0xFFFFFF80  }
.LBB2_9:
0xaf: {  	_ =	sfence.sel $0x180000  }
0xb0: {  	[bflag:$0x0] =	sbarrier.arrive $0xFFFF  }
0xb1: {  	p0 =	sne.s32 s1, $0x0;
	_ =	strace $0x90000047  }
0xb2: {  	s0 =	sadd.s32 @!p0 $0x100000, s0;
	[bflag:$0x2] =	sbarrier.arrive $0xFFFF  }
0xb3: {  	[sflag:s0] =	ssyncadd.tile.s32 @!p0 $0x1;
	_ =	shalt  }
.Lfunc_end2:
_tile_overlayer_lowered:
.L_overlay_start_2:
0xb4: {  	(tag) =	ssettag $0x2  }
0xb5: {  	s0 =	rddreg [dreg:$0x0];
	s2 =	stileid.u32  }
0xb6: {  	s1 =	rddreg [dreg:$0x1];
	p0 =	sne.s32 s2, $0x0  }
0xb7: {  	s3 =	rddreg [dreg:$0x2];
	[bflag:$0x3] =	sbarrier.arrive $0xFFFF;
	s2 =	simm.s32 @!p0 $0x1C01  }
0xb8: {  	[timem:s3], [sflag:s2] =	dma.local @!p0 [hbm:s0], s1  }
0xb9: {  	s0 =	simm.s32 @!p0 $0x1  }
0xba: {  	_ =	swait.ge @!p0 [sflag:s0], s1  }
0xbb: {  	s1 =	ssub.s32 @!p0 $0x0, s1;
	[sflag:s0] =	ssyncset.done @!p0 $0x0  }
0xbc: {  	[sflag:s0] =	ssyncadd.s32 @!p0 s1  }
0xbd: {  	[bflag:$0x3] =	sbarrier.arrive $0xFFFF  }
0xbe: {  	_ =	shalt  }

</sc_bundles>
